<compile_context>
chip_gen: v7x
topology: tpu7x:2x2x1
jax: 0.10.2.dev20260603
libtpu: 0.0.44.dev20260713+nightly
codegen_flags: <defaults>
</compile_context>

<pallas_src>
import functools

import jax
import jax.numpy as jnp
from jax import lax
from jax.experimental import pallas as pl
from jax.experimental.pallas import tpu as pltpu
from jax.experimental.pallas import tpu_sc as plsc

EMBED_D = 128
NUM_WORKERS = 32
GATHER_ROWS = 128
TABLE_PAD = 1024
NBUF = 5
DEPTH = 3


def _make_sc_gather(num_rows: int):
    rows_per_w = num_rows // NUM_WORKERS
    chunks = rows_per_w // GATHER_ROWS
    assert chunks % NBUF == 0
    slab = TABLE_PAD // 16

    mesh = plsc.VectorSubcoreMesh(core_axis_name="c", subcore_axis_name="s")

    @functools.partial(
        pl.kernel,
        mesh=mesh,
        out_type=jax.ShapeDtypeStruct((num_rows, EMBED_D), jnp.float32),
        scratch_types=[
            pltpu.VMEM_SHARED((TABLE_PAD, EMBED_D), jnp.float32),
            pltpu.VMEM((chunks, GATHER_ROWS), jnp.int32),
        ]
        + [pltpu.VMEM((GATHER_ROWS, EMBED_D), jnp.float32)] * NBUF
        + [pltpu.SemaphoreType.DMA] * (2 * NBUF),
    )
    def k(ids_hbm, w_hbm, out_hbm, table_sh, idx_v, *rest):
        bufs = rest[:NBUF]
        gsem = rest[NBUF:2 * NBUF]
        ssem = rest[2 * NBUF:]
        cid = lax.axis_index("c")
        sid = lax.axis_index("s")
        wid = sid * 2 + cid
        base = wid * rows_per_w

        tcopy = pltpu.make_async_copy(w_hbm.at[pl.ds(sid * slab, slab)],
                                      table_sh.at[pl.ds(sid * slab, slab)],
                                      gsem[0])
        icopy = pltpu.make_async_copy(ids_hbm.at[wid], idx_v, gsem[1])
        tcopy.start()
        icopy.start()
        tcopy.wait()
        icopy.wait()
        plsc.subcore_barrier()

        def gather(b, j):
            return pltpu.make_async_copy(table_sh.at[idx_v.at[j]],
                                         bufs[b], gsem[b])

        def store(b, j):
            return pltpu.make_async_copy(
                bufs[b], out_hbm.at[pl.ds(base + j * GATHER_ROWS,
                                          GATHER_ROWS)], ssem[b])

        for p in range(DEPTH):
            gather(p, p).start()

        def body(i, carry):
            for u in range(NBUF):
                j = i * NBUF + u
                b = u
                gather(b, j).wait()
                store(b, j).start()
                b2 = (u + DEPTH) % NBUF

                @pl.when(j + DEPTH < chunks)
                def _():
                    @pl.when(j >= NBUF - DEPTH)
                    def _():
                        store(b2, j + DEPTH - NBUF).wait()

                    gather(b2, j + DEPTH).start()

            return carry

        lax.fori_loop(0, chunks // NBUF, body, 0, unroll=False)

        for u in range(NBUF):
            j = chunks - NBUF + u
            store(u, j).wait()

    return k


def kernel(sensor_ids, weight):
    b, t = sensor_ids.shape
    num_rows = b * t
    ids = sensor_ids.astype(jnp.int32).reshape(
        NUM_WORKERS, num_rows // (NUM_WORKERS * GATHER_ROWS), GATHER_ROWS)
    w_pad = jnp.pad(weight, ((0, TABLE_PAD - weight.shape[0]), (0, 0)))
    out = _make_sc_gather(num_rows)(ids, w_pad)
    return out.reshape(b, t, EMBED_D)

# --- scband reference (transcript-rebuilt; emitter-appended) ---
"""Pipeline reference for scband-sensor-embed-65154653880450 (READ-ONLY COPY).

The authoritative reference and input builder live on the scoring server;
editing this copy changes nothing except your own understanding.
"""

import jax, jax.numpy as jnp
import numpy as np

NUM_SENSORS = 1000
EMBED_DIM = 128

def setup_inputs(seed: int = 0) -> dict:
    key = jax.random.key(seed)
    k1, k2 = jax.random.split(key)
    sensor_ids = jax.random.randint(k1, (4096, 200), 0, NUM_SENSORS, dtype=jnp.int64 if jax.config.jax_enable_x64 else jnp.int32)
    weight = jax.random.normal(k2, (NUM_SENSORS, EMBED_DIM), dtype=jnp.float32)
    return {"sensor_ids": sensor_ids, "weight": weight}

def reference(sensor_ids, weight):
    # Embedding lookup: out[...,:] = weight[sensor_ids[...], :]
    return jnp.take(weight, sensor_ids, axis=0)

if __name__ == "__main__":
    import jax
    _d = setup_inputs()
    print(jax.jit(kernel)(*tuple(_d.values())))

</pallas_src>

<mosaic_0001>
#map = affine_map<(d0, d1) -> (0, 0, 0)>
#map1 = affine_map<(d0, d1) -> (0, 0)>
module attributes {stable_mosaic.version = 14 : i64} {
  func.func @k(%arg0: i32, %arg1: i32, %arg2: memref<32x200x128xi32, #tpu.memory_space<hbm>>, %arg3: memref<1024x128xf32, #tpu.memory_space<hbm>>, %arg4: memref<819200x128xf32, #tpu.memory_space<hbm>>, %arg5: memref<1024x128xf32, #tpu.memory_space<vmem_shared>>, %arg6: memref<200x128xi32, #tpu.memory_space<vmem>>, %arg7: memref<128x128xf32, #tpu.memory_space<vmem>>, %arg8: memref<128x128xf32, #tpu.memory_space<vmem>>, %arg9: memref<128x128xf32, #tpu.memory_space<vmem>>, %arg10: memref<128x128xf32, #tpu.memory_space<vmem>>, %arg11: memref<128x128xf32, #tpu.memory_space<vmem>>, %arg12: memref<!tpu.dma_semaphore, #tpu.memory_space<semaphore_mem>>, %arg13: memref<!tpu.dma_semaphore, #tpu.memory_space<semaphore_mem>>, %arg14: memref<!tpu.dma_semaphore, #tpu.memory_space<semaphore_mem>>, %arg15: memref<!tpu.dma_semaphore, #tpu.memory_space<semaphore_mem>>, %arg16: memref<!tpu.dma_semaphore, #tpu.memory_space<semaphore_mem>>, %arg17: memref<!tpu.dma_semaphore, #tpu.memory_space<semaphore_mem>>, %arg18: memref<!tpu.dma_semaphore, #tpu.memory_space<semaphore_mem>>, %arg19: memref<!tpu.dma_semaphore, #tpu.memory_space<semaphore_mem>>, %arg20: memref<!tpu.dma_semaphore, #tpu.memory_space<semaphore_mem>>, %arg21: memref<!tpu.dma_semaphore, #tpu.memory_space<semaphore_mem>>) attributes {dimension_semantics = [#tpu.dimension_semantics<core_parallel>, #tpu.dimension_semantics<subcore_parallel>], iteration_bounds = array<i64: 2, 16>, scalar_prefetch = 0 : i64, scratch_operands = 17 : i64, tpu.core_type = #tpu.core_type<sc_vector_subcore>, window_params = [{transform_indices = #map}, {transform_indices = #map1}, {transform_indices = #map1}]} {
    %mul3A = arith.constant 2 : i32
    %mul3A_0 = arith.muli %arg1, %mul3A : i32
    %add3A = arith.addi %mul3A_0, %arg0 : i32
    %mul3A_1 = arith.constant 25600 : i32
    %mul3A_2 = arith.muli %add3A, %mul3A_1 : i32
    %mul3A_3 = arith.constant 64 : i32
    %mul3A_4 = arith.muli %arg1, %mul3A_3 : i32
    %mul3A_5 = arith.constant 64 : i32
    %mul3A_6 = arith.muli %arg1, %mul3A_5 : i32
    %dma_start3A = arith.constant 0 : i32
    %dma_start3A_7 = tpu.memref_slice %arg5[%mul3A_6, %dma_start3A] : memref<1024x128xf32, #tpu.memory_space<vmem_shared>> -> memref<64x128xf32, #tpu.memory_space<vmem_shared>>
    %dma_start3A_8 = arith.constant 0 : i32
    %dma_start3A_9 = tpu.memref_slice %arg3[%mul3A_4, %dma_start3A_8] : memref<1024x128xf32, #tpu.memory_space<hbm>> -> memref<64x128xf32, #tpu.memory_space<hbm>>
    tpu.enqueue_dma source(%dma_start3A_9 : memref<64x128xf32, #tpu.memory_space<hbm>>) target(%dma_start3A_7 : memref<64x128xf32, #tpu.memory_space<vmem_shared>>) target_semaphore(%arg12 : memref<!tpu.dma_semaphore, #tpu.memory_space<semaphore_mem>>)
    %dma_start3A_10 = arith.constant 0 : i32
    %dma_start3A_11 = arith.constant 0 : i32
    %dma_start3A_12 = tpu.memref_slice %arg2[%add3A, %dma_start3A_10, %dma_start3A_11] : memref<32x200x128xi32, #tpu.memory_space<hbm>> -> memref<1x200x128xi32, #tpu.memory_space<hbm>>
    %dma_start3A_13 = tpu.memref_squeeze %dma_start3A_12 : memref<1x200x128xi32, #tpu.memory_space<hbm>> -> memref<200x128xi32, #tpu.memory_space<hbm>>
    %dma_start3A_14 = arith.constant 0 : i32
    %dma_start3A_15 = arith.constant 0 : i32
    %dma_start3A_16 = tpu.memref_slice %arg2[%add3A, %dma_start3A_14, %dma_start3A_15] : memref<32x200x128xi32, #tpu.memory_space<hbm>> -> memref<1x200x128xi32, #tpu.memory_space<hbm>>
    %dma_start3A_17 = tpu.memref_squeeze %dma_start3A_16 : memref<1x200x128xi32, #tpu.memory_space<hbm>> -> memref<200x128xi32, #tpu.memory_space<hbm>>
    tpu.enqueue_dma source(%dma_start3A_17 : memref<200x128xi32, #tpu.memory_space<hbm>>) target(%arg6 : memref<200x128xi32, #tpu.memory_space<vmem>>) target_semaphore(%arg13 : memref<!tpu.dma_semaphore, #tpu.memory_space<semaphore_mem>>)
    %dma_wait3A = arith.constant 0 : i32
    %dma_wait3A_18 = tpu.memref_slice %arg5[%mul3A_6, %dma_wait3A] : memref<1024x128xf32, #tpu.memory_space<vmem_shared>> -> memref<64x128xf32, #tpu.memory_space<vmem_shared>>
    %dma_wait3A_19 = arith.constant 0 : i32
    %dma_wait3A_20 = tpu.memref_slice %arg3[%mul3A_4, %dma_wait3A_19] : memref<1024x128xf32, #tpu.memory_space<hbm>> -> memref<64x128xf32, #tpu.memory_space<hbm>>
    tpu.wait_dma2 semaphore(%arg12 : memref<!tpu.dma_semaphore, #tpu.memory_space<semaphore_mem>>) src(%dma_wait3A_20 : memref<64x128xf32, #tpu.memory_space<hbm>>) dst(%dma_wait3A_18 : memref<64x128xf32, #tpu.memory_space<vmem_shared>>)
    %dma_wait3A_21 = arith.constant 0 : i32
    %dma_wait3A_22 = arith.constant 0 : i32
    %dma_wait3A_23 = tpu.memref_slice %arg2[%add3A, %dma_wait3A_21, %dma_wait3A_22] : memref<32x200x128xi32, #tpu.memory_space<hbm>> -> memref<1x200x128xi32, #tpu.memory_space<hbm>>
    %dma_wait3A_24 = tpu.memref_squeeze %dma_wait3A_23 : memref<1x200x128xi32, #tpu.memory_space<hbm>> -> memref<200x128xi32, #tpu.memory_space<hbm>>
    %dma_wait3A_25 = arith.constant 0 : i32
    %dma_wait3A_26 = arith.constant 0 : i32
    %dma_wait3A_27 = tpu.memref_slice %arg2[%add3A, %dma_wait3A_25, %dma_wait3A_26] : memref<32x200x128xi32, #tpu.memory_space<hbm>> -> memref<1x200x128xi32, #tpu.memory_space<hbm>>
    %dma_wait3A_28 = tpu.memref_squeeze %dma_wait3A_27 : memref<1x200x128xi32, #tpu.memory_space<hbm>> -> memref<200x128xi32, #tpu.memory_space<hbm>>
    tpu.wait_dma2 semaphore(%arg13 : memref<!tpu.dma_semaphore, #tpu.memory_space<semaphore_mem>>) src(%dma_wait3A_28 : memref<200x128xi32, #tpu.memory_space<hbm>>) dst(%arg6 : memref<200x128xi32, #tpu.memory_space<vmem>>)
    %barrier3A = arith.constant 0 : index
    tpu.barrier barrier_id(%barrier3A)
    %dma_start3A_29 = arith.constant 0 : i32
    %dma_start3A_30 = arith.constant 0 : i32
    %dma_start3A_31 = tpu.memref_slice %arg6[%dma_start3A_29, %dma_start3A_30] : memref<200x128xi32, #tpu.memory_space<vmem>> -> memref<1x128xi32, #tpu.memory_space<vmem>>
    %dma_start3A_32 = tpu.memref_squeeze %dma_start3A_31 : memref<1x128xi32, #tpu.memory_space<vmem>> -> memref<128xi32, #tpu.memory_space<vmem>>
    %dma_start3A_33 = arith.constant 0 : i32
    %dma_start3A_34 = arith.constant 0 : i32
    %dma_start3A_35 = tpu.memref_slice %arg5[%dma_start3A_33, %dma_start3A_34] : memref<1024x128xf32, #tpu.memory_space<vmem_shared>> -> memref<1024x128xf32, #tpu.memory_space<vmem_shared>>
    tpu.enqueue_indirect_dma source(%dma_start3A_35 : memref<1024x128xf32, #tpu.memory_space<vmem_shared>>) target(%arg7 : memref<128x128xf32, #tpu.memory_space<vmem>>) offsets(%dma_start3A_32 : memref<128xi32, #tpu.memory_space<vmem>>) semaphore(%arg12 : memref<!tpu.dma_semaphore, #tpu.memory_space<semaphore_mem>>)
    %dma_start3A_36 = arith.constant 1 : i32
    %dma_start3A_37 = arith.constant 0 : i32
    %dma_start3A_38 = tpu.memref_slice %arg6[%dma_start3A_36, %dma_start3A_37] : memref<200x128xi32, #tpu.memory_space<vmem>> -> memref<1x128xi32, #tpu.memory_space<vmem>>
    %dma_start3A_39 = tpu.memref_squeeze %dma_start3A_38 : memref<1x128xi32, #tpu.memory_space<vmem>> -> memref<128xi32, #tpu.memory_space<vmem>>
    %dma_start3A_40 = arith.constant 0 : i32
    %dma_start3A_41 = arith.constant 0 : i32
    %dma_start3A_42 = tpu.memref_slice %arg5[%dma_start3A_40, %dma_start3A_41] : memref<1024x128xf32, #tpu.memory_space<vmem_shared>> -> memref<1024x128xf32, #tpu.memory_space<vmem_shared>>
    tpu.enqueue_indirect_dma source(%dma_start3A_42 : memref<1024x128xf32, #tpu.memory_space<vmem_shared>>) target(%arg8 : memref<128x128xf32, #tpu.memory_space<vmem>>) offsets(%dma_start3A_39 : memref<128xi32, #tpu.memory_space<vmem>>) semaphore(%arg13 : memref<!tpu.dma_semaphore, #tpu.memory_space<semaphore_mem>>)
    %dma_start3A_43 = arith.constant 2 : i32
    %dma_start3A_44 = arith.constant 0 : i32
    %dma_start3A_45 = tpu.memref_slice %arg6[%dma_start3A_43, %dma_start3A_44] : memref<200x128xi32, #tpu.memory_space<vmem>> -> memref<1x128xi32, #tpu.memory_space<vmem>>
    %dma_start3A_46 = tpu.memref_squeeze %dma_start3A_45 : memref<1x128xi32, #tpu.memory_space<vmem>> -> memref<128xi32, #tpu.memory_space<vmem>>
    %dma_start3A_47 = arith.constant 0 : i32
    %dma_start3A_48 = arith.constant 0 : i32
    %dma_start3A_49 = tpu.memref_slice %arg5[%dma_start3A_47, %dma_start3A_48] : memref<1024x128xf32, #tpu.memory_space<vmem_shared>> -> memref<1024x128xf32, #tpu.memory_space<vmem_shared>>
    tpu.enqueue_indirect_dma source(%dma_start3A_49 : memref<1024x128xf32, #tpu.memory_space<vmem_shared>>) target(%arg9 : memref<128x128xf32, #tpu.memory_space<vmem>>) offsets(%dma_start3A_46 : memref<128xi32, #tpu.memory_space<vmem>>) semaphore(%arg14 : memref<!tpu.dma_semaphore, #tpu.memory_space<semaphore_mem>>)
    %scan3A = arith.constant 0 : i32
    %scan3A_50 = arith.constant 0 : i32
    %scan3A_51 = arith.constant 40 : i32
    %scan3A_52 = arith.addi %scan3A_50, %scan3A_51 : i32
    %scan3A_53 = arith.constant 1 : i32
    scf.for %scan3A_85 = %scan3A_50 to %scan3A_52 step %scan3A_53  : i32 {
      %mul3A_86 = arith.constant 5 : i32
      %mul3A_87 = arith.muli %scan3A_85, %mul3A_86 : i32
      %add3A_88 = arith.constant 0 : i32
      %add3A_89 = arith.addi %mul3A_87, %add3A_88 : i32
      %dma_wait3A_90 = arith.constant 0 : i32
      %dma_wait3A_91 = tpu.memref_slice %arg6[%add3A_89, %dma_wait3A_90] : memref<200x128xi32, #tpu.memory_space<vmem>> -> memref<1x128xi32, #tpu.memory_space<vmem>>
      %dma_wait3A_92 = tpu.memref_squeeze %dma_wait3A_91 : memref<1x128xi32, #tpu.memory_space<vmem>> -> memref<128xi32, #tpu.memory_space<vmem>>
      %dma_wait3A_93 = arith.constant 0 : i32
      %dma_wait3A_94 = arith.constant 0 : i32
      %dma_wait3A_95 = tpu.memref_slice %arg5[%dma_wait3A_93, %dma_wait3A_94] : memref<1024x128xf32, #tpu.memory_space<vmem_shared>> -> memref<1024x128xf32, #tpu.memory_space<vmem_shared>>
      tpu.wait_indirect_dma semaphore(%arg12 : memref<!tpu.dma_semaphore, #tpu.memory_space<semaphore_mem>>) src(%dma_wait3A_95 : memref<1024x128xf32, #tpu.memory_space<vmem_shared>>) dst(%arg7 : memref<128x128xf32, #tpu.memory_space<vmem>>)
      %mul3A_96 = arith.constant 128 : i32
      %mul3A_97 = arith.muli %add3A_89, %mul3A_96 : i32
      %add3A_98 = arith.addi %mul3A_2, %mul3A_97 : i32
      %dma_start3A_99 = arith.constant 0 : i32
      %dma_start3A_100 = tpu.memref_slice %arg4[%add3A_98, %dma_start3A_99] : memref<819200x128xf32, #tpu.memory_space<hbm>> -> memref<128x128xf32, #tpu.memory_space<hbm>>
      %dma_start3A_101 = arith.constant 0 : i32
      %dma_start3A_102 = tpu.memref_slice %arg4[%add3A_98, %dma_start3A_101] : memref<819200x128xf32, #tpu.memory_space<hbm>> -> memref<128x128xf32, #tpu.memory_space<hbm>>
      tpu.enqueue_dma source(%arg7 : memref<128x128xf32, #tpu.memory_space<vmem>>) target(%dma_start3A_102 : memref<128x128xf32, #tpu.memory_space<hbm>>) target_semaphore(%arg17 : memref<!tpu.dma_semaphore, #tpu.memory_space<semaphore_mem>>)
      %add3A_103 = arith.constant 3 : i32
      %add3A_104 = arith.addi %add3A_89, %add3A_103 : i32
      %lt3A = arith.constant 200 : i32
      %lt3A_105 = arith.cmpi slt, %add3A_104, %lt3A : i32
      %convert_element_type3A = arith.extui %lt3A_105 : i1 to i32
      %cond3A = arith.constant 0 : i32
      %cond3A_106 = arith.cmpi ne, %convert_element_type3A, %cond3A : i32
      scf.if %cond3A_106 {
        %ge3A = arith.constant 2 : i32
        %ge3A_203 = arith.cmpi sge, %add3A_89, %ge3A : i32
        %convert_element_type3A_204 = arith.extui %ge3A_203 : i1 to i32
        %cond3A_205 = arith.constant 0 : i32
        %cond3A_206 = arith.cmpi ne, %convert_element_type3A_204, %cond3A_205 : i32
        scf.if %cond3A_206 {
          %add3A_215 = arith.constant 3 : i32
          %add3A_216 = arith.addi %add3A_89, %add3A_215 : i32
          %sub3A = arith.constant 5 : i32
          %sub3A_217 = arith.subi %add3A_216, %sub3A : i32
          %mul3A_218 = arith.constant 128 : i32
          %mul3A_219 = arith.muli %sub3A_217, %mul3A_218 : i32
          %add3A_220 = arith.addi %mul3A_2, %mul3A_219 : i32
          %dma_wait3A_221 = arith.constant 0 : i32
          %dma_wait3A_222 = tpu.memref_slice %arg4[%add3A_220, %dma_wait3A_221] : memref<819200x128xf32, #tpu.memory_space<hbm>> -> memref<128x128xf32, #tpu.memory_space<hbm>>
          %dma_wait3A_223 = arith.constant 0 : i32
          %dma_wait3A_224 = tpu.memref_slice %arg4[%add3A_220, %dma_wait3A_223] : memref<819200x128xf32, #tpu.memory_space<hbm>> -> memref<128x128xf32, #tpu.memory_space<hbm>>
          tpu.wait_dma2 semaphore(%arg20 : memref<!tpu.dma_semaphore, #tpu.memory_space<semaphore_mem>>) src(%arg10 : memref<128x128xf32, #tpu.memory_space<vmem>>) dst(%dma_wait3A_224 : memref<128x128xf32, #tpu.memory_space<hbm>>)
        } else {
        }
        %add3A_207 = arith.constant 3 : i32
        %add3A_208 = arith.addi %add3A_89, %add3A_207 : i32
        %dma_start3A_209 = arith.constant 0 : i32
        %dma_start3A_210 = tpu.memref_slice %arg6[%add3A_208, %dma_start3A_209] : memref<200x128xi32, #tpu.memory_space<vmem>> -> memref<1x128xi32, #tpu.memory_space<vmem>>
        %dma_start3A_211 = tpu.memref_squeeze %dma_start3A_210 : memref<1x128xi32, #tpu.memory_space<vmem>> -> memref<128xi32, #tpu.memory_space<vmem>>
        %dma_start3A_212 = arith.constant 0 : i32
        %dma_start3A_213 = arith.constant 0 : i32
        %dma_start3A_214 = tpu.memref_slice %arg5[%dma_start3A_212, %dma_start3A_213] : memref<1024x128xf32, #tpu.memory_space<vmem_shared>> -> memref<1024x128xf32, #tpu.memory_space<vmem_shared>>
        tpu.enqueue_indirect_dma source(%dma_start3A_214 : memref<1024x128xf32, #tpu.memory_space<vmem_shared>>) target(%arg10 : memref<128x128xf32, #tpu.memory_space<vmem>>) offsets(%dma_start3A_211 : memref<128xi32, #tpu.memory_space<vmem>>) semaphore(%arg15 : memref<!tpu.dma_semaphore, #tpu.memory_space<semaphore_mem>>)
      } else {
      }
      %mul3A_107 = arith.constant 5 : i32
      %mul3A_108 = arith.muli %scan3A_85, %mul3A_107 : i32
      %add3A_109 = arith.constant 1 : i32
      %add3A_110 = arith.addi %mul3A_108, %add3A_109 : i32
      %dma_wait3A_111 = arith.constant 0 : i32
      %dma_wait3A_112 = tpu.memref_slice %arg6[%add3A_110, %dma_wait3A_111] : memref<200x128xi32, #tpu.memory_space<vmem>> -> memref<1x128xi32, #tpu.memory_space<vmem>>
      %dma_wait3A_113 = tpu.memref_squeeze %dma_wait3A_112 : memref<1x128xi32, #tpu.memory_space<vmem>> -> memref<128xi32, #tpu.memory_space<vmem>>
      %dma_wait3A_114 = arith.constant 0 : i32
      %dma_wait3A_115 = arith.constant 0 : i32
      %dma_wait3A_116 = tpu.memref_slice %arg5[%dma_wait3A_114, %dma_wait3A_115] : memref<1024x128xf32, #tpu.memory_space<vmem_shared>> -> memref<1024x128xf32, #tpu.memory_space<vmem_shared>>
      tpu.wait_indirect_dma semaphore(%arg13 : memref<!tpu.dma_semaphore, #tpu.memory_space<semaphore_mem>>) src(%dma_wait3A_116 : memref<1024x128xf32, #tpu.memory_space<vmem_shared>>) dst(%arg8 : memref<128x128xf32, #tpu.memory_space<vmem>>)
      %mul3A_117 = arith.constant 128 : i32
      %mul3A_118 = arith.muli %add3A_110, %mul3A_117 : i32
      %add3A_119 = arith.addi %mul3A_2, %mul3A_118 : i32
      %dma_start3A_120 = arith.constant 0 : i32
      %dma_start3A_121 = tpu.memref_slice %arg4[%add3A_119, %dma_start3A_120] : memref<819200x128xf32, #tpu.memory_space<hbm>> -> memref<128x128xf32, #tpu.memory_space<hbm>>
      %dma_start3A_122 = arith.constant 0 : i32
      %dma_start3A_123 = tpu.memref_slice %arg4[%add3A_119, %dma_start3A_122] : memref<819200x128xf32, #tpu.memory_space<hbm>> -> memref<128x128xf32, #tpu.memory_space<hbm>>
      tpu.enqueue_dma source(%arg8 : memref<128x128xf32, #tpu.memory_space<vmem>>) target(%dma_start3A_123 : memref<128x128xf32, #tpu.memory_space<hbm>>) target_semaphore(%arg18 : memref<!tpu.dma_semaphore, #tpu.memory_space<semaphore_mem>>)
      %add3A_124 = arith.constant 3 : i32
      %add3A_125 = arith.addi %add3A_110, %add3A_124 : i32
      %lt3A_126 = arith.constant 200 : i32
      %lt3A_127 = arith.cmpi slt, %add3A_125, %lt3A_126 : i32
      %convert_element_type3A_128 = arith.extui %lt3A_127 : i1 to i32
      %cond3A_129 = arith.constant 0 : i32
      %cond3A_130 = arith.cmpi ne, %convert_element_type3A_128, %cond3A_129 : i32
      scf.if %cond3A_130 {
        %ge3A = arith.constant 2 : i32
        %ge3A_203 = arith.cmpi sge, %add3A_110, %ge3A : i32
        %convert_element_type3A_204 = arith.extui %ge3A_203 : i1 to i32
        %cond3A_205 = arith.constant 0 : i32
        %cond3A_206 = arith.cmpi ne, %convert_element_type3A_204, %cond3A_205 : i32
        scf.if %cond3A_206 {
          %add3A_215 = arith.constant 3 : i32
          %add3A_216 = arith.addi %add3A_110, %add3A_215 : i32
          %sub3A = arith.constant 5 : i32
          %sub3A_217 = arith.subi %add3A_216, %sub3A : i32
          %mul3A_218 = arith.constant 128 : i32
          %mul3A_219 = arith.muli %sub3A_217, %mul3A_218 : i32
          %add3A_220 = arith.addi %mul3A_2, %mul3A_219 : i32
          %dma_wait3A_221 = arith.constant 0 : i32
          %dma_wait3A_222 = tpu.memref_slice %arg4[%add3A_220, %dma_wait3A_221] : memref<819200x128xf32, #tpu.memory_space<hbm>> -> memref<128x128xf32, #tpu.memory_space<hbm>>
          %dma_wait3A_223 = arith.constant 0 : i32
          %dma_wait3A_224 = tpu.memref_slice %arg4[%add3A_220, %dma_wait3A_223] : memref<819200x128xf32, #tpu.memory_space<hbm>> -> memref<128x128xf32, #tpu.memory_space<hbm>>
          tpu.wait_dma2 semaphore(%arg21 : memref<!tpu.dma_semaphore, #tpu.memory_space<semaphore_mem>>) src(%arg11 : memref<128x128xf32, #tpu.memory_space<vmem>>) dst(%dma_wait3A_224 : memref<128x128xf32, #tpu.memory_space<hbm>>)
        } else {
        }
        %add3A_207 = arith.constant 3 : i32
        %add3A_208 = arith.addi %add3A_110, %add3A_207 : i32
        %dma_start3A_209 = arith.constant 0 : i32
        %dma_start3A_210 = tpu.memref_slice %arg6[%add3A_208, %dma_start3A_209] : memref<200x128xi32, #tpu.memory_space<vmem>> -> memref<1x128xi32, #tpu.memory_space<vmem>>
        %dma_start3A_211 = tpu.memref_squeeze %dma_start3A_210 : memref<1x128xi32, #tpu.memory_space<vmem>> -> memref<128xi32, #tpu.memory_space<vmem>>
        %dma_start3A_212 = arith.constant 0 : i32
        %dma_start3A_213 = arith.constant 0 : i32
        %dma_start3A_214 = tpu.memref_slice %arg5[%dma_start3A_212, %dma_start3A_213] : memref<1024x128xf32, #tpu.memory_space<vmem_shared>> -> memref<1024x128xf32, #tpu.memory_space<vmem_shared>>
        tpu.enqueue_indirect_dma source(%dma_start3A_214 : memref<1024x128xf32, #tpu.memory_space<vmem_shared>>) target(%arg11 : memref<128x128xf32, #tpu.memory_space<vmem>>) offsets(%dma_start3A_211 : memref<128xi32, #tpu.memory_space<vmem>>) semaphore(%arg16 : memref<!tpu.dma_semaphore, #tpu.memory_space<semaphore_mem>>)
      } else {
      }
      %mul3A_131 = arith.constant 5 : i32
      %mul3A_132 = arith.muli %scan3A_85, %mul3A_131 : i32
      %add3A_133 = arith.constant 2 : i32
      %add3A_134 = arith.addi %mul3A_132, %add3A_133 : i32
      %dma_wait3A_135 = arith.constant 0 : i32
      %dma_wait3A_136 = tpu.memref_slice %arg6[%add3A_134, %dma_wait3A_135] : memref<200x128xi32, #tpu.memory_space<vmem>> -> memref<1x128xi32, #tpu.memory_space<vmem>>
      %dma_wait3A_137 = tpu.memref_squeeze %dma_wait3A_136 : memref<1x128xi32, #tpu.memory_space<vmem>> -> memref<128xi32, #tpu.memory_space<vmem>>
      %dma_wait3A_138 = arith.constant 0 : i32
      %dma_wait3A_139 = arith.constant 0 : i32
      %dma_wait3A_140 = tpu.memref_slice %arg5[%dma_wait3A_138, %dma_wait3A_139] : memref<1024x128xf32, #tpu.memory_space<vmem_shared>> -> memref<1024x128xf32, #tpu.memory_space<vmem_shared>>
      tpu.wait_indirect_dma semaphore(%arg14 : memref<!tpu.dma_semaphore, #tpu.memory_space<semaphore_mem>>) src(%dma_wait3A_140 : memref<1024x128xf32, #tpu.memory_space<vmem_shared>>) dst(%arg9 : memref<128x128xf32, #tpu.memory_space<vmem>>)
      %mul3A_141 = arith.constant 128 : i32
      %mul3A_142 = arith.muli %add3A_134, %mul3A_141 : i32
      %add3A_143 = arith.addi %mul3A_2, %mul3A_142 : i32
      %dma_start3A_144 = arith.constant 0 : i32
      %dma_start3A_145 = tpu.memref_slice %arg4[%add3A_143, %dma_start3A_144] : memref<819200x128xf32, #tpu.memory_space<hbm>> -> memref<128x128xf32, #tpu.memory_space<hbm>>
      %dma_start3A_146 = arith.constant 0 : i32
      %dma_start3A_147 = tpu.memref_slice %arg4[%add3A_143, %dma_start3A_146] : memref<819200x128xf32, #tpu.memory_space<hbm>> -> memref<128x128xf32, #tpu.memory_space<hbm>>
      tpu.enqueue_dma source(%arg9 : memref<128x128xf32, #tpu.memory_space<vmem>>) target(%dma_start3A_147 : memref<128x128xf32, #tpu.memory_space<hbm>>) target_semaphore(%arg19 : memref<!tpu.dma_semaphore, #tpu.memory_space<semaphore_mem>>)
      %add3A_148 = arith.constant 3 : i32
      %add3A_149 = arith.addi %add3A_134, %add3A_148 : i32
      %lt3A_150 = arith.constant 200 : i32
      %lt3A_151 = arith.cmpi slt, %add3A_149, %lt3A_150 : i32
      %convert_element_type3A_152 = arith.extui %lt3A_151 : i1 to i32
      %cond3A_153 = arith.constant 0 : i32
      %cond3A_154 = arith.cmpi ne, %convert_element_type3A_152, %cond3A_153 : i32
      scf.if %cond3A_154 {
        %ge3A = arith.constant 2 : i32
        %ge3A_203 = arith.cmpi sge, %add3A_134, %ge3A : i32
        %convert_element_type3A_204 = arith.extui %ge3A_203 : i1 to i32
        %cond3A_205 = arith.constant 0 : i32
        %cond3A_206 = arith.cmpi ne, %convert_element_type3A_204, %cond3A_205 : i32
        scf.if %cond3A_206 {
          %add3A_215 = arith.constant 3 : i32
          %add3A_216 = arith.addi %add3A_134, %add3A_215 : i32
          %sub3A = arith.constant 5 : i32
          %sub3A_217 = arith.subi %add3A_216, %sub3A : i32
          %mul3A_218 = arith.constant 128 : i32
          %mul3A_219 = arith.muli %sub3A_217, %mul3A_218 : i32
          %add3A_220 = arith.addi %mul3A_2, %mul3A_219 : i32
          %dma_wait3A_221 = arith.constant 0 : i32
          %dma_wait3A_222 = tpu.memref_slice %arg4[%add3A_220, %dma_wait3A_221] : memref<819200x128xf32, #tpu.memory_space<hbm>> -> memref<128x128xf32, #tpu.memory_space<hbm>>
          %dma_wait3A_223 = arith.constant 0 : i32
          %dma_wait3A_224 = tpu.memref_slice %arg4[%add3A_220, %dma_wait3A_223] : memref<819200x128xf32, #tpu.memory_space<hbm>> -> memref<128x128xf32, #tpu.memory_space<hbm>>
          tpu.wait_dma2 semaphore(%arg17 : memref<!tpu.dma_semaphore, #tpu.memory_space<semaphore_mem>>) src(%arg7 : memref<128x128xf32, #tpu.memory_space<vmem>>) dst(%dma_wait3A_224 : memref<128x128xf32, #tpu.memory_space<hbm>>)
        } else {
        }
        %add3A_207 = arith.constant 3 : i32
        %add3A_208 = arith.addi %add3A_134, %add3A_207 : i32
        %dma_start3A_209 = arith.constant 0 : i32
        %dma_start3A_210 = tpu.memref_slice %arg6[%add3A_208, %dma_start3A_209] : memref<200x128xi32, #tpu.memory_space<vmem>> -> memref<1x128xi32, #tpu.memory_space<vmem>>
        %dma_start3A_211 = tpu.memref_squeeze %dma_start3A_210 : memref<1x128xi32, #tpu.memory_space<vmem>> -> memref<128xi32, #tpu.memory_space<vmem>>
        %dma_start3A_212 = arith.constant 0 : i32
        %dma_start3A_213 = arith.constant 0 : i32
        %dma_start3A_214 = tpu.memref_slice %arg5[%dma_start3A_212, %dma_start3A_213] : memref<1024x128xf32, #tpu.memory_space<vmem_shared>> -> memref<1024x128xf32, #tpu.memory_space<vmem_shared>>
        tpu.enqueue_indirect_dma source(%dma_start3A_214 : memref<1024x128xf32, #tpu.memory_space<vmem_shared>>) target(%arg7 : memref<128x128xf32, #tpu.memory_space<vmem>>) offsets(%dma_start3A_211 : memref<128xi32, #tpu.memory_space<vmem>>) semaphore(%arg12 : memref<!tpu.dma_semaphore, #tpu.memory_space<semaphore_mem>>)
      } else {
      }
      %mul3A_155 = arith.constant 5 : i32
      %mul3A_156 = arith.muli %scan3A_85, %mul3A_155 : i32
      %add3A_157 = arith.constant 3 : i32
      %add3A_158 = arith.addi %mul3A_156, %add3A_157 : i32
      %dma_wait3A_159 = arith.constant 0 : i32
      %dma_wait3A_160 = tpu.memref_slice %arg6[%add3A_158, %dma_wait3A_159] : memref<200x128xi32, #tpu.memory_space<vmem>> -> memref<1x128xi32, #tpu.memory_space<vmem>>
      %dma_wait3A_161 = tpu.memref_squeeze %dma_wait3A_160 : memref<1x128xi32, #tpu.memory_space<vmem>> -> memref<128xi32, #tpu.memory_space<vmem>>
      %dma_wait3A_162 = arith.constant 0 : i32
      %dma_wait3A_163 = arith.constant 0 : i32
      %dma_wait3A_164 = tpu.memref_slice %arg5[%dma_wait3A_162, %dma_wait3A_163] : memref<1024x128xf32, #tpu.memory_space<vmem_shared>> -> memref<1024x128xf32, #tpu.memory_space<vmem_shared>>
      tpu.wait_indirect_dma semaphore(%arg15 : memref<!tpu.dma_semaphore, #tpu.memory_space<semaphore_mem>>) src(%dma_wait3A_164 : memref<1024x128xf32, #tpu.memory_space<vmem_shared>>) dst(%arg10 : memref<128x128xf32, #tpu.memory_space<vmem>>)
      %mul3A_165 = arith.constant 128 : i32
      %mul3A_166 = arith.muli %add3A_158, %mul3A_165 : i32
      %add3A_167 = arith.addi %mul3A_2, %mul3A_166 : i32
      %dma_start3A_168 = arith.constant 0 : i32
      %dma_start3A_169 = tpu.memref_slice %arg4[%add3A_167, %dma_start3A_168] : memref<819200x128xf32, #tpu.memory_space<hbm>> -> memref<128x128xf32, #tpu.memory_space<hbm>>
      %dma_start3A_170 = arith.constant 0 : i32
      %dma_start3A_171 = tpu.memref_slice %arg4[%add3A_167, %dma_start3A_170] : memref<819200x128xf32, #tpu.memory_space<hbm>> -> memref<128x128xf32, #tpu.memory_space<hbm>>
      tpu.enqueue_dma source(%arg10 : memref<128x128xf32, #tpu.memory_space<vmem>>) target(%dma_start3A_171 : memref<128x128xf32, #tpu.memory_space<hbm>>) target_semaphore(%arg20 : memref<!tpu.dma_semaphore, #tpu.memory_space<semaphore_mem>>)
      %add3A_172 = arith.constant 3 : i32
      %add3A_173 = arith.addi %add3A_158, %add3A_172 : i32
      %lt3A_174 = arith.constant 200 : i32
      %lt3A_175 = arith.cmpi slt, %add3A_173, %lt3A_174 : i32
      %convert_element_type3A_176 = arith.extui %lt3A_175 : i1 to i32
      %cond3A_177 = arith.constant 0 : i32
      %cond3A_178 = arith.cmpi ne, %convert_element_type3A_176, %cond3A_177 : i32
      scf.if %cond3A_178 {
        %ge3A = arith.constant 2 : i32
        %ge3A_203 = arith.cmpi sge, %add3A_158, %ge3A : i32
        %convert_element_type3A_204 = arith.extui %ge3A_203 : i1 to i32
        %cond3A_205 = arith.constant 0 : i32
        %cond3A_206 = arith.cmpi ne, %convert_element_type3A_204, %cond3A_205 : i32
        scf.if %cond3A_206 {
          %add3A_215 = arith.constant 3 : i32
          %add3A_216 = arith.addi %add3A_158, %add3A_215 : i32
          %sub3A = arith.constant 5 : i32
          %sub3A_217 = arith.subi %add3A_216, %sub3A : i32
          %mul3A_218 = arith.constant 128 : i32
          %mul3A_219 = arith.muli %sub3A_217, %mul3A_218 : i32
          %add3A_220 = arith.addi %mul3A_2, %mul3A_219 : i32
          %dma_wait3A_221 = arith.constant 0 : i32
          %dma_wait3A_222 = tpu.memref_slice %arg4[%add3A_220, %dma_wait3A_221] : memref<819200x128xf32, #tpu.memory_space<hbm>> -> memref<128x128xf32, #tpu.memory_space<hbm>>
          %dma_wait3A_223 = arith.constant 0 : i32
          %dma_wait3A_224 = tpu.memref_slice %arg4[%add3A_220, %dma_wait3A_223] : memref<819200x128xf32, #tpu.memory_space<hbm>> -> memref<128x128xf32, #tpu.memory_space<hbm>>
          tpu.wait_dma2 semaphore(%arg18 : memref<!tpu.dma_semaphore, #tpu.memory_space<semaphore_mem>>) src(%arg8 : memref<128x128xf32, #tpu.memory_space<vmem>>) dst(%dma_wait3A_224 : memref<128x128xf32, #tpu.memory_space<hbm>>)
        } else {
        }
        %add3A_207 = arith.constant 3 : i32
        %add3A_208 = arith.addi %add3A_158, %add3A_207 : i32
        %dma_start3A_209 = arith.constant 0 : i32
        %dma_start3A_210 = tpu.memref_slice %arg6[%add3A_208, %dma_start3A_209] : memref<200x128xi32, #tpu.memory_space<vmem>> -> memref<1x128xi32, #tpu.memory_space<vmem>>
        %dma_start3A_211 = tpu.memref_squeeze %dma_start3A_210 : memref<1x128xi32, #tpu.memory_space<vmem>> -> memref<128xi32, #tpu.memory_space<vmem>>
        %dma_start3A_212 = arith.constant 0 : i32
        %dma_start3A_213 = arith.constant 0 : i32
        %dma_start3A_214 = tpu.memref_slice %arg5[%dma_start3A_212, %dma_start3A_213] : memref<1024x128xf32, #tpu.memory_space<vmem_shared>> -> memref<1024x128xf32, #tpu.memory_space<vmem_shared>>
        tpu.enqueue_indirect_dma source(%dma_start3A_214 : memref<1024x128xf32, #tpu.memory_space<vmem_shared>>) target(%arg8 : memref<128x128xf32, #tpu.memory_space<vmem>>) offsets(%dma_start3A_211 : memref<128xi32, #tpu.memory_space<vmem>>) semaphore(%arg13 : memref<!tpu.dma_semaphore, #tpu.memory_space<semaphore_mem>>)
      } else {
      }
      %mul3A_179 = arith.constant 5 : i32
      %mul3A_180 = arith.muli %scan3A_85, %mul3A_179 : i32
      %add3A_181 = arith.constant 4 : i32
      %add3A_182 = arith.addi %mul3A_180, %add3A_181 : i32
      %dma_wait3A_183 = arith.constant 0 : i32
      %dma_wait3A_184 = tpu.memref_slice %arg6[%add3A_182, %dma_wait3A_183] : memref<200x128xi32, #tpu.memory_space<vmem>> -> memref<1x128xi32, #tpu.memory_space<vmem>>
      %dma_wait3A_185 = tpu.memref_squeeze %dma_wait3A_184 : memref<1x128xi32, #tpu.memory_space<vmem>> -> memref<128xi32, #tpu.memory_space<vmem>>
      %dma_wait3A_186 = arith.constant 0 : i32
      %dma_wait3A_187 = arith.constant 0 : i32
      %dma_wait3A_188 = tpu.memref_slice %arg5[%dma_wait3A_186, %dma_wait3A_187] : memref<1024x128xf32, #tpu.memory_space<vmem_shared>> -> memref<1024x128xf32, #tpu.memory_space<vmem_shared>>
      tpu.wait_indirect_dma semaphore(%arg16 : memref<!tpu.dma_semaphore, #tpu.memory_space<semaphore_mem>>) src(%dma_wait3A_188 : memref<1024x128xf32, #tpu.memory_space<vmem_shared>>) dst(%arg11 : memref<128x128xf32, #tpu.memory_space<vmem>>)
      %mul3A_189 = arith.constant 128 : i32
      %mul3A_190 = arith.muli %add3A_182, %mul3A_189 : i32
      %add3A_191 = arith.addi %mul3A_2, %mul3A_190 : i32
      %dma_start3A_192 = arith.constant 0 : i32
      %dma_start3A_193 = tpu.memref_slice %arg4[%add3A_191, %dma_start3A_192] : memref<819200x128xf32, #tpu.memory_space<hbm>> -> memref<128x128xf32, #tpu.memory_space<hbm>>
      %dma_start3A_194 = arith.constant 0 : i32
      %dma_start3A_195 = tpu.memref_slice %arg4[%add3A_191, %dma_start3A_194] : memref<819200x128xf32, #tpu.memory_space<hbm>> -> memref<128x128xf32, #tpu.memory_space<hbm>>
      tpu.enqueue_dma source(%arg11 : memref<128x128xf32, #tpu.memory_space<vmem>>) target(%dma_start3A_195 : memref<128x128xf32, #tpu.memory_space<hbm>>) target_semaphore(%arg21 : memref<!tpu.dma_semaphore, #tpu.memory_space<semaphore_mem>>)
      %add3A_196 = arith.constant 3 : i32
      %add3A_197 = arith.addi %add3A_182, %add3A_196 : i32
      %lt3A_198 = arith.constant 200 : i32
      %lt3A_199 = arith.cmpi slt, %add3A_197, %lt3A_198 : i32
      %convert_element_type3A_200 = arith.extui %lt3A_199 : i1 to i32
      %cond3A_201 = arith.constant 0 : i32
      %cond3A_202 = arith.cmpi ne, %convert_element_type3A_200, %cond3A_201 : i32
      scf.if %cond3A_202 {
        %ge3A = arith.constant 2 : i32
        %ge3A_203 = arith.cmpi sge, %add3A_182, %ge3A : i32
        %convert_element_type3A_204 = arith.extui %ge3A_203 : i1 to i32
        %cond3A_205 = arith.constant 0 : i32
        %cond3A_206 = arith.cmpi ne, %convert_element_type3A_204, %cond3A_205 : i32
        scf.if %cond3A_206 {
          %add3A_215 = arith.constant 3 : i32
          %add3A_216 = arith.addi %add3A_182, %add3A_215 : i32
          %sub3A = arith.constant 5 : i32
          %sub3A_217 = arith.subi %add3A_216, %sub3A : i32
          %mul3A_218 = arith.constant 128 : i32
          %mul3A_219 = arith.muli %sub3A_217, %mul3A_218 : i32
          %add3A_220 = arith.addi %mul3A_2, %mul3A_219 : i32
          %dma_wait3A_221 = arith.constant 0 : i32
          %dma_wait3A_222 = tpu.memref_slice %arg4[%add3A_220, %dma_wait3A_221] : memref<819200x128xf32, #tpu.memory_space<hbm>> -> memref<128x128xf32, #tpu.memory_space<hbm>>
          %dma_wait3A_223 = arith.constant 0 : i32
          %dma_wait3A_224 = tpu.memref_slice %arg4[%add3A_220, %dma_wait3A_223] : memref<819200x128xf32, #tpu.memory_space<hbm>> -> memref<128x128xf32, #tpu.memory_space<hbm>>
          tpu.wait_dma2 semaphore(%arg19 : memref<!tpu.dma_semaphore, #tpu.memory_space<semaphore_mem>>) src(%arg9 : memref<128x128xf32, #tpu.memory_space<vmem>>) dst(%dma_wait3A_224 : memref<128x128xf32, #tpu.memory_space<hbm>>)
        } else {
        }
        %add3A_207 = arith.constant 3 : i32
        %add3A_208 = arith.addi %add3A_182, %add3A_207 : i32
        %dma_start3A_209 = arith.constant 0 : i32
        %dma_start3A_210 = tpu.memref_slice %arg6[%add3A_208, %dma_start3A_209] : memref<200x128xi32, #tpu.memory_space<vmem>> -> memref<1x128xi32, #tpu.memory_space<vmem>>
        %dma_start3A_211 = tpu.memref_squeeze %dma_start3A_210 : memref<1x128xi32, #tpu.memory_space<vmem>> -> memref<128xi32, #tpu.memory_space<vmem>>
        %dma_start3A_212 = arith.constant 0 : i32
        %dma_start3A_213 = arith.constant 0 : i32
        %dma_start3A_214 = tpu.memref_slice %arg5[%dma_start3A_212, %dma_start3A_213] : memref<1024x128xf32, #tpu.memory_space<vmem_shared>> -> memref<1024x128xf32, #tpu.memory_space<vmem_shared>>
        tpu.enqueue_indirect_dma source(%dma_start3A_214 : memref<1024x128xf32, #tpu.memory_space<vmem_shared>>) target(%arg9 : memref<128x128xf32, #tpu.memory_space<vmem>>) offsets(%dma_start3A_211 : memref<128xi32, #tpu.memory_space<vmem>>) semaphore(%arg14 : memref<!tpu.dma_semaphore, #tpu.memory_space<semaphore_mem>>)
      } else {
      }
    }
    %scan3A_54 = arith.constant 40 : i32
    %add3A_55 = arith.constant 24960 : i32
    %add3A_56 = arith.addi %mul3A_2, %add3A_55 : i32
    %dma_wait3A_57 = arith.constant 0 : i32
    %dma_wait3A_58 = tpu.memref_slice %arg4[%add3A_56, %dma_wait3A_57] : memref<819200x128xf32, #tpu.memory_space<hbm>> -> memref<128x128xf32, #tpu.memory_space<hbm>>
    %dma_wait3A_59 = arith.constant 0 : i32
    %dma_wait3A_60 = tpu.memref_slice %arg4[%add3A_56, %dma_wait3A_59] : memref<819200x128xf32, #tpu.memory_space<hbm>> -> memref<128x128xf32, #tpu.memory_space<hbm>>
    tpu.wait_dma2 semaphore(%arg17 : memref<!tpu.dma_semaphore, #tpu.memory_space<semaphore_mem>>) src(%arg7 : memref<128x128xf32, #tpu.memory_space<vmem>>) dst(%dma_wait3A_60 : memref<128x128xf32, #tpu.memory_space<hbm>>)
    %add3A_61 = arith.constant 25088 : i32
    %add3A_62 = arith.addi %mul3A_2, %add3A_61 : i32
    %dma_wait3A_63 = arith.constant 0 : i32
    %dma_wait3A_64 = tpu.memref_slice %arg4[%add3A_62, %dma_wait3A_63] : memref<819200x128xf32, #tpu.memory_space<hbm>> -> memref<128x128xf32, #tpu.memory_space<hbm>>
    %dma_wait3A_65 = arith.constant 0 : i32
    %dma_wait3A_66 = tpu.memref_slice %arg4[%add3A_62, %dma_wait3A_65] : memref<819200x128xf32, #tpu.memory_space<hbm>> -> memref<128x128xf32, #tpu.memory_space<hbm>>
    tpu.wait_dma2 semaphore(%arg18 : memref<!tpu.dma_semaphore, #tpu.memory_space<semaphore_mem>>) src(%arg8 : memref<128x128xf32, #tpu.memory_space<vmem>>) dst(%dma_wait3A_66 : memref<128x128xf32, #tpu.memory_space<hbm>>)
    %add3A_67 = arith.constant 25216 : i32
    %add3A_68 = arith.addi %mul3A_2, %add3A_67 : i32
    %dma_wait3A_69 = arith.constant 0 : i32
    %dma_wait3A_70 = tpu.memref_slice %arg4[%add3A_68, %dma_wait3A_69] : memref<819200x128xf32, #tpu.memory_space<hbm>> -> memref<128x128xf32, #tpu.memory_space<hbm>>
    %dma_wait3A_71 = arith.constant 0 : i32
    %dma_wait3A_72 = tpu.memref_slice %arg4[%add3A_68, %dma_wait3A_71] : memref<819200x128xf32, #tpu.memory_space<hbm>> -> memref<128x128xf32, #tpu.memory_space<hbm>>
    tpu.wait_dma2 semaphore(%arg19 : memref<!tpu.dma_semaphore, #tpu.memory_space<semaphore_mem>>) src(%arg9 : memref<128x128xf32, #tpu.memory_space<vmem>>) dst(%dma_wait3A_72 : memref<128x128xf32, #tpu.memory_space<hbm>>)
    %add3A_73 = arith.constant 25344 : i32
    %add3A_74 = arith.addi %mul3A_2, %add3A_73 : i32
    %dma_wait3A_75 = arith.constant 0 : i32
    %dma_wait3A_76 = tpu.memref_slice %arg4[%add3A_74, %dma_wait3A_75] : memref<819200x128xf32, #tpu.memory_space<hbm>> -> memref<128x128xf32, #tpu.memory_space<hbm>>
    %dma_wait3A_77 = arith.constant 0 : i32
    %dma_wait3A_78 = tpu.memref_slice %arg4[%add3A_74, %dma_wait3A_77] : memref<819200x128xf32, #tpu.memory_space<hbm>> -> memref<128x128xf32, #tpu.memory_space<hbm>>
    tpu.wait_dma2 semaphore(%arg20 : memref<!tpu.dma_semaphore, #tpu.memory_space<semaphore_mem>>) src(%arg10 : memref<128x128xf32, #tpu.memory_space<vmem>>) dst(%dma_wait3A_78 : memref<128x128xf32, #tpu.memory_space<hbm>>)
    %add3A_79 = arith.constant 25472 : i32
    %add3A_80 = arith.addi %mul3A_2, %add3A_79 : i32
    %dma_wait3A_81 = arith.constant 0 : i32
    %dma_wait3A_82 = tpu.memref_slice %arg4[%add3A_80, %dma_wait3A_81] : memref<819200x128xf32, #tpu.memory_space<hbm>> -> memref<128x128xf32, #tpu.memory_space<hbm>>
    %dma_wait3A_83 = arith.constant 0 : i32
    %dma_wait3A_84 = tpu.memref_slice %arg4[%add3A_80, %dma_wait3A_83] : memref<819200x128xf32, #tpu.memory_space<hbm>> -> memref<128x128xf32, #tpu.memory_space<hbm>>
    tpu.wait_dma2 semaphore(%arg21 : memref<!tpu.dma_semaphore, #tpu.memory_space<semaphore_mem>>) src(%arg11 : memref<128x128xf32, #tpu.memory_space<vmem>>) dst(%dma_wait3A_84 : memref<128x128xf32, #tpu.memory_space<hbm>>)
    return
  }
}

</mosaic_0001>

<sc_bundles>
// kernel: kernel.3.cloned.1.call-start
scs
__scs_entry_jumppad:
0x0: {  	(pc) =	sbr.rel $0x88, $3  }
0x1: {  	(tag) =	ssettag $0x0;
	lr =	simm.s32 $0x1  }
0x2: {  	[smem:$0x3F9F] =	sst lr;
	_ =	strace $0xD0000000  }
0x3: {  	_ = 	snop  }
0x4: {  	_ = 	snop  }
0x5: {  	_ = 	snop  }
0x6: {  	_ = 	snop  }
0x7: {  	_ = 	snop  }
__scs_overlays_trampoline_lowered:
0x8: {  	[smem:$0x3FAE] =	sst s0  }
0x9: {  	[smem:$0x3FAF] =	sst s1  }
0xa: {  	[smem:$0x3FB0] =	sst s2  }
0xb: {  	[smem:$0x3FB1] =	sst s3  }
0xc: {  	[smem:$0x3FB2] =	sst s4  }
0xd: {  	[smem:$0x3FB3] =	sst s5  }
0xe: {  	[smem:$0x3FB4] =	sst s6  }
0xf: {  	[smem:$0x3FB5] =	sst s7  }
0x10: {  	[smem:$0x3FB6] =	sst s8  }
0x11: {  	[smem:$0x3FB7] =	sst s9;
	s0 =	simm.s32 @!p0 $0x0  }
0x12: {  	s1 =	sld [smem:$0x3F9D];
	s0 =	simm.s32 @p0 $0x1  }
0x13: {  	[smem:$0x3FB8] =	sst s0;
	s0 =	simm.s32 @!p1 $0x0  }
0x14: {  	s2 =	sld [smem:$0x3F9C];
	s0 =	simm.s32 @p1 $0x1  }
0x15: {  	[smem:$0x3FB9] =	sst s0;
	s0 =	simm.s32 @!p2 $0x0  }
0x16: {  	s3 =	sld [smem:$0x3FDB];
	s0 =	simm.s32 @p2 $0x1  }
0x17: {  	s4 =	simm.s32 $0x1BF5;
	[smem:$0x3FBB] =	sst s0  }
0x18: {  	s0 =	sld [smem:$0x3F9E];
	_ =	swait.ge [sflag:s4], $0x0  }
0x19: {  	s7 =	sld [smem:$0x3F9F]  }
0x1a: {  	s8 =	sadd.s32 $0xFFFFE003, lr  }
0x1b: {  	s9 =	sadd.s32 $0xFFFFFEF7, lr;
	s5 =	simm.s32 $0xFFFFFFFF;
	p2 =	slt.u32 s8, $0xFFFFF086  }
0x1c: {  	p1 =	slt.u32 s9, $0xF7A;
	s5 =	simm.s32 @!p2 $0x0  }
0x1d: {  	s5 =	simm.s32 @p1 $0x1;
	p0 =	seq.s32 s7, s2  }
0x1e: {  	s7 =	smul.u32 @!p0 $0xF7A, s2;
	p2 =	seq.s32 @!p0 s5, $0x0  }
0x1f: {  	s9 =	smul.u32 $0xF7A, s1;
	s8 =	simm.s32 @!p0 $0x1BF5;
	p2 =	por !p2, p0  }
0x20: {  	[sflag:s8] =	ssyncset.s32 @!p0 $0xFFFFF086;
	s6 =	sadd.s32 @!p0 s3, s7;
	s7 =	simm.s32 @!p0 $0x108  }
0x21: {  	s3 =	sadd.s32 s3, s9;
	s6 =	sadd.s32 @!p0 $0x88, s6;
	s7 =	simm.s32 @p2 $0x1082  }
0x22: {  	[simem:s7], [sflag:s8] =	dma.local @!p0 [hbm:s6], $0xF7A  }
0x23: {  	s9 =	sor.u32 $0xD0000000, s2;
	s6 =	simm.s32 $0x108;
	_ =	swait.ge @!p0 [sflag:s8], $0x0  }
0x24: {  	s3 =	sadd.s32 $0x88, s3;
	s6 =	simm.s32 @!p1 $0x1082;
	[sflag:s4] =	ssyncset.s32 $0xFFFFF086  }
0x25: {  	[simem:s6], [sflag:s4] =	dma.local [hbm:s3], $0xF7A  }
0x26: {  	[smem:$0x3F9F] =	sst s1;
	(tag) =	ssettag s2;
	_ =	strace s9  }
0x27: {  	s1 =	sld [smem:$0x3FAF]  }
0x28: {  	s2 =	sld [smem:$0x3FB0]  }
0x29: {  	s4 =	sld [smem:$0x3FB2]  }
0x2a: {  	p0 =	seq.s32 s5, $0x0;
	s5 =	sld [smem:$0x3FB3]  }
0x2b: {  	s6 =	sld [smem:$0x3FB4]  }
0x2c: {  	s7 =	sld [smem:$0x3FB5]  }
0x2d: {  	s3 =	simm.s32 $0x108;
	s8 =	sld [smem:$0x3FB6]  }
0x2e: {  	s3 =	simm.s32 @!p0 $0x1082;
	s9 =	sld [smem:$0x3FB7]  }
0x2f: {  	lr =	sadd.s32 s0, s3;
	s0 =	sld [smem:$0x3FAE]  }
0x30: {  	s3 =	sld [smem:$0x3FB1]  }
0x31: {  	[smem:$0x3FBA] =	sst s10  }
0x32: {  	s10 =	sld [smem:$0x3FB8];
	_ =	sdelay $0x3  }
0x33: {  	p0 =	seq.s32 s10, $0x1;
	s10 =	sld [smem:$0x3FBA];
	_ =	sdelay $0x3  }
0x34: {  	[smem:$0x3FBA] =	sst s10  }
0x35: {  	s10 =	sld [smem:$0x3FB9];
	_ =	sdelay $0x3  }
0x36: {  	p1 =	seq.s32 s10, $0x1;
	s10 =	sld [smem:$0x3FBA];
	_ =	sdelay $0x3  }
0x37: {  	[smem:$0x3FBA] =	sst s10  }
0x38: {  	s10 =	sld [smem:$0x3FBB]  }
0x39: {  	_ = 	snop;
	(pc) =	sbr.ind lr, $3  }
0x3a: {  	_ = 	snop  }
0x3b: {  	_ = 	snop  }
0x3c: {  	p2 =	seq.s32 s10, $0x1;
	s10 =	sld [smem:$0x3FBA]  }
0x3d: {  	_ =	shalt  }
0x3e: {  	_ =	shalt  }
0x3f: {  	_ =	shalt  }
0x40: {  	_ =	shalt  }
0x41: {  	_ =	shalt  }
0x42: {  	_ =	shalt  }
0x43: {  	_ =	shalt  }
0x44: {  	_ =	shalt  }
0x45: {  	_ =	shalt  }
0x46: {  	_ =	shalt  }
0x47: {  	_ =	shalt  }
0x48: {  	_ =	shalt  }
0x49: {  	_ =	shalt  }
0x4a: {  	_ =	shalt  }
0x4b: {  	_ =	shalt  }
0x4c: {  	_ =	shalt  }
0x4d: {  	_ =	shalt  }
0x4e: {  	_ =	shalt  }
0x4f: {  	_ =	shalt  }
0x50: {  	_ =	shalt  }
0x51: {  	_ =	shalt  }
0x52: {  	_ =	shalt  }
0x53: {  	_ =	shalt  }
0x54: {  	_ =	shalt  }
0x55: {  	_ =	shalt  }
0x56: {  	_ =	shalt  }
0x57: {  	_ =	shalt  }
0x58: {  	_ =	shalt  }
0x59: {  	_ =	shalt  }
0x5a: {  	_ =	shalt  }
0x5b: {  	_ =	shalt  }
0x5c: {  	_ =	shalt  }
0x5d: {  	_ =	shalt  }
0x5e: {  	_ =	shalt  }
0x5f: {  	_ =	shalt  }
0x60: {  	_ =	shalt  }
0x61: {  	_ =	shalt  }
0x62: {  	_ =	shalt  }
0x63: {  	_ =	shalt  }
0x64: {  	_ =	shalt  }
0x65: {  	_ =	shalt  }
0x66: {  	_ =	shalt  }
0x67: {  	_ =	shalt  }
0x68: {  	_ =	shalt  }
0x69: {  	_ =	shalt  }
0x6a: {  	_ =	shalt  }
0x6b: {  	_ =	shalt  }
0x6c: {  	_ =	shalt  }
0x6d: {  	_ =	shalt  }
0x6e: {  	_ =	shalt  }
0x6f: {  	_ =	shalt  }
0x70: {  	_ =	shalt  }
0x71: {  	_ =	shalt  }
0x72: {  	_ =	shalt  }
0x73: {  	_ =	shalt  }
0x74: {  	_ =	shalt  }
0x75: {  	_ =	shalt  }
0x76: {  	_ =	shalt  }
0x77: {  	_ =	shalt  }
0x78: {  	_ =	shalt  }
0x79: {  	_ =	shalt  }
0x7a: {  	_ =	shalt  }
0x7b: {  	_ =	shalt  }
0x7c: {  	_ =	shalt  }
0x7d: {  	_ =	shalt  }
0x7e: {  	_ =	shalt  }
0x7f: {  	_ =	shalt  }
0x80: {  	_ =	shalt  }
0x81: {  	_ =	shalt  }
0x82: {  	_ =	shalt  }
0x83: {  	_ =	shalt  }
0x84: {  	_ =	shalt  }
0x85: {  	_ =	shalt  }
0x86: {  	_ =	shalt  }
0x87: {  	_ =	shalt  }
.Lfunc_end0:
.L_simem_size_0:
called_computation_lowered:
.L_overlay_start_0:
0x88: {  	s2 =	sld [smem:$0x3FD9]  }
0x89: {  	s3 =	sld [smem:$0x3FFE];
	_ =	sdelay $0x1  }
0x8a: {  	s1 =	srdreg.scid  }
0x8b: {  	s0 =	sand.u32 $0x1, s1  }
0x8c: {  	s17 =	sshll.u32 s0, $0xA;
	s2 =	sadd.s32 s3, s2  }
0x8d: {  	s2 =	sadd.s32 s2, s17  }
0x8e: {  	[smem:$0x3FC6] =	sst s2  }
0x8f: {  	_ = 	snop  }
0x90: {  	s2 =	sld [smem:$0x3FD0];
	(tm) =	ssettm $0x1  }
0x91: {  	s18 =	sld [smem:$0x3FFB];
	_ =	sdelay $0x3  }
0x92: {  	_ =	strace s18  }
0x93: {  	s3 =	sld [smem:$0x3FFC];
	_ =	sdelay $0x3  }
0x94: {  	_ =	strace s3  }
0x95: {  	s3 =	sld [smem:$0x3FFD];
	_ =	sdelay $0x3  }
0x96: {  	_ =	strace s3  }
0x97: {  	_ =	strace $0x8FFFFFFF  }
0x98: {  	s19 =	sld [smem:$0x3FDB];
	_ =	sdelay $0x1  }
0x99: {  	s4 =	simm.s32 $_scs_section_size  }
0x9a: {  	s5 =	simm.s32 $_size__tile_overlayer_lowered;
	s6 =	simm.s32 $_tile_overlayer_lowered  }
0x9b: {  	s22 =	simm.s32 $0x1BFF;
	s21 =	sshll.u32 s6, $0x1;
	s3 =	sadd.s32 s4, s19  }
0x9c: {  	s7 =	simm.s32 $0x0;
	s20 =	sshll.u32 s5, $0x1;
	s5 =	sadd.s32 s21, s3  }
0x9d: {  	[timem:s7], [sflag:s22] =	dma.local [hbm:s5], s20  }
0x9e: {  	_ =	swait.ge [sflag:s22], s20  }
0x9f: {  	s4 =	ssub.s32 $0x0, s20;
	[sflag:s22] =	ssyncset.done $0x0  }
0xa0: {  	[sflag:s22] =	ssyncadd.s32 s4;
	_ =	sdelay $0x1  }
0xa1: {  	s23 =	simm.s32 $0x1B8B  }
0xa2: {  	_ =	swait.ge [sflag:s23], $0x1  }
0xa3: {  	[sflag:s23] =	ssyncset.done $0x0  }
0xa4: {  	s25 =	simm.s32 $0x1B8E;
	s24 =	sld [smem:$0x3FFE];
	[sflag:s23] =	ssyncadd.s32 $0xFFFFFFFF  }
0xa5: {  	s26 =	simm.s32 $execute0_lowered;
	[smem:$0x3FD2] =	sst s25  }
0xa6: {  	s5 =	sshll.u32 s26, $0x1;
	_ =	strace $0x80000046;
	[dreg:$0x1] =	wrdreg $0xFFFFFFFF  }
0xa7: {  	s28 =	simm.s32 $_size_execute0_lowered;
	s3 =	sadd.s32 s3, s5;
	[dreg:$0x0] =	wrdreg $0x0  }
0xa8: {  	s5 =	sshll.u32 s28, $0x1;
	[dreg:$0x2] =	wrdreg s3  }
0xa9: {  	[dreg:$0x3] =	wrdreg s5  }
0xaa: {  	[dreg:$0x4] =	wrdreg $0xC0  }
0xab: {  	_ =	task [dreg:s7], $0x5FFFF  }
0xac: {  	[dreg:$0x1] =	wrdreg $0xFFFFFFFF  }
0xad: {  	[dreg:$0x0] =	wrdreg $0x60  }
0xae: {  	[dreg:$0x2] =	wrdreg s24  }
0xaf: {  	[dreg:$0x3] =	wrdreg s2  }
0xb0: {  	[dreg:$0x4] =	wrdreg $0x0  }
0xb1: {  	[dreg:$0x5] =	wrdreg $0x9  }
0xb2: {  	_ =	task.clear_ibuf [dreg:s7], $0x6FFFF;
	_ =	strace $0x90000046  }
0xb3: {  	s29 =	simm.s32 $0x9;
	_ =	strace $0x80000048  }
0xb4: {  	_ =	swait.ge [sflag:s29], $0x1  }
0xb5: {  	[sflag:s29] =	ssyncadd.s32 $0xFFFFFFFF  }
0xb6: {  	_ =	strace $0x90000048  }
0xb7: {  	_ =	sfence  }
0xb8: {  	s30 =	sld [smem:$0x0];
	_ =	sdelay $0x2  }
0xb9: {  	s31 =	sshll.u32 s1, $0xD;
	s1 =	sshrl.u32 s1, $0x2  }
0xba: {  	s3 =	sand.u32 $0x4000, s31;
	s1 =	sadd.s32 s1, s30  }
0xbb: {  	s0 =	sor.u32 s3, s0;
	s1 =	sshll.u32 s1, $0x11  }
0xbc: {  	s0 =	sor.u32 s1, s0  }
0xbd: {  	s0 =	sadd.s32 $0x8F2B, s0  }
0xbe: {  	[sflag:s0] =	ssyncadd.remote.s32 $0x1  }
0xbf: {  	_ =	sfence.sel $0xFFFF  }
0xc0: {  	[dreg:$0x0] =	wrdreg $0xFFFFFFFF;
	(pc) =	sbr.abs _section_cstart, $3  }
0xc1: {  	[dreg:$0x1] =	wrdreg $0xFFFFFFFF  }
0xc2: {  	_ =	task.clear_ibuf [dreg:s7], $0x2FFFF;
	_ =	strace $0x9FFFFFFF  }
0xc3: {  	(tm) =	ssettm $0x7FFFFFFF  }
tec
execute0_lowered:
.L_overlay_start_1:
0x0: {  	(tag) =	ssettag $0x1  }
0x1: {  	s0 =	srdreg.scid;
	s1 =	rddreg [dreg:$0x0]  }
0x2: {  	s11 =	stileid.u32;
	s6 =	rddreg [dreg:$0x1]  }
0x3: {  	s28 =	simm.s32 $0x5;
	s29 =	simm.s32 $0x6;
	s30 =	simm.s32 $0x7  }
0x4: {  	s31 =	simm.s32 $0x8;
	s0 =	sand.u32 $0x1, s0;
	s7 =	smul.u32 $0x640000, s11  }
0x5: {  	s2 =	sshll.u32 s11, $0x1;
	s5 =	sshll.u32 s11, $0xA;
	s18 =	smul.u32 $0xC8000, s11  }
0x6: {  	s9 =	sshll.u32 s11, $0xD;
	s17 =	sshll.u32 s11, $0x6;
	s10 =	smul.u32 $0x320000, s0  }
0x7: {  	s3 =	sor.u32 s0, s2;
	s15 =	ssub.s32 $0x2, s0;
	s0 =	smul.u32 $0x64000, s0  }
0x8: {  	s2 =	rddreg [dreg:$0x2];
	s4 =	smul.u32 $0x6400, s3;
	s3 =	simm.s32 $0x0  }
0x9: {  	s8 =	sshrl.u32 s15, $0x1;
	s16 =	sadd.s32 s9, s2;
	s20 =	sadd.s32 s18, s6  }
0xa: {  	s18 =	simm.s32 $0x8400;
	[smem:$0x7FF] =	sst s3;
	s7 =	sadd.s32 s10, s7  }
0xb: {  	s0 =	sadd.s32 s0, s20;
	s26 =	sshrl.u32 s16, $0x3;
	s16 =	simm.s32 $0x2  }
0xc: {  	s20 =	simm.s32 $0xC400;
	s4 =	sshrl.u32 s4, $0x3;
	_ =	strace $0x80000047  }
0xd: {  	s19 =	sor.u32 $0x10000, s7;
	[dreg:$0x8] =	wrdreg s0;
	s22 =	sor.u32 $0xC000, s7  }
0xe: {  	s23 =	sor.u32 $0x8000, s7;
	s24 =	sor.u32 $0x4000, s7;
	[dreg:$0xc] =	wrdreg s26  }
0xf: {  	s26 =	simm.s32 $0x4;
	s4 =	sadd.s32 s4, s1;
	s1 =	sadd.s32 s5, s1  }
0x10: {  	s5 =	ssub.s32 s15, s8;
	s0 =	sshrl.u32 s22, $0x3;
	s1 =	sadd.s32 $0x19600, s1  }
0x11: {  	s7 =	sshrl.u32 s24, $0x3;
	s4 =	sadd.s32 $0x600, s4;
	[dreg:$0x4] =	wrdreg s1  }
0x12: {  	s15 =	simm.s32 $0x1;
	s5 =	smax.u32 s5, $0x1;
	[dreg:$0x6] =	wrdreg s4  }
0x13: {  	s22 =	simm.s32 $0x10400;
	s0 =	sadd.s32 s0, s6;
	[dreg:$0x7] =	wrdreg s5  }
0x14: {  	s24 =	simm.s32 $0x18400;
	s1 =	sor.u32 $0x1C01, s17;
	[dreg:$0xa] =	wrdreg s0  }
.Ltmp0:
0x15: {  	s17 =	simm.s32 $0x80;
	s0 =	simm.s32 $0xA;
	(pc) =	sbr.rel .LBB2_1-.Ltmp0, $4  }
0x16: {  	[dreg:$0x5] =	wrdreg s1;
	s1 =	sshrl.u32 s19, $0x3;
	s19 =	simm.s32 $0x0  }
0x17: {  	s21 =	sadd.s32 s1, s6;
	s1 =	sshrl.u32 s23, $0x3;
	s23 =	simm.s32 $0x14400  }
0x18: {  	[dreg:$0x9] =	wrdreg s21;
	s25 =	sadd.s32 s1, s6;
	s21 =	sadd.s32 s7, s6  }
0x19: {  	s1 =	simm.s32 $0x9;
	[dreg:$0xb] =	wrdreg s25;
	s25 =	simm.s32 $0x3  }
.LBB2_4:
0x1a: {  	_ =	swait.ge [sflag:s29], $0x4000  }
0x1b: {  	[sflag:s29] =	ssyncset.done $0x0  }
0x1c: {  	[sflag:s29] =	ssyncadd.s32 $0xFFFFC000  }
0x1d: {  	_ =	swait.ge [sflag:s30], $0x4000  }
0x1e: {  	[sflag:s30] =	ssyncset.done $0x0  }
0x1f: {  	[sflag:s30] =	ssyncadd.s32 $0xFFFFC000  }
0x20: {  	_ =	swait.ge [sflag:s31], $0x4000  }
0x21: {  	[sflag:s31] =	ssyncset.done $0x0  }
0x22: {  	[sflag:s31] =	ssyncadd.s32 $0xFFFFC000  }
0x23: {  	_ =	swait.ge [sflag:s1], $0x4000  }
0x24: {  	[sflag:s1] =	ssyncset.done $0x0  }
0x25: {  	[sflag:s1] =	ssyncadd.s32 $0xFFFFC000  }
0x26: {  	_ =	swait.ge [sflag:s0], $0x4000  }
0x27: {  	s19 =	sadd.s32 $0x1, s19;
	s4 =	rddreg [dreg:$0x7]  }
0x28: {  	p0 =	sne.s32 s19, s4  }
.Ltmp1:
0x29: {  	_ = 	snop;
	(pc) =	sbr.rel @!p0 .LBB2_5-.Ltmp1, $3  }
0x2a: {  	_ =	sdelay $0x1  }
0x2b: {  	[sflag:s0] =	ssyncset.done $0x0  }
0x2c: {  	[sflag:s0] =	ssyncadd.s32 $0xFFFFC000  }
.LBB2_1:
0x2d: {  	s4 =	rddreg [dreg:$0x4]  }
0x2e: {  	s5 =	rddreg [dreg:$0x5]  }
0x2f: {  	s6 =	rddreg [dreg:$0xc]  }
0x30: {  	[spmem:s6], [sflag:s5] =	dma.local [hbm:s4], $0x400  }
0x31: {  	s12 =	simm.s32 $0x2000;
	s4 =	rddreg [dreg:$0x6]  }
0x32: {  	[tilespmem:s12], [sflag:$0x2] =	stream.linear.gather [hbm4b:s4+s3], $0x6400, $0x38;
	[tilespmem:$0x1C400] =	vst v63  }
0x33: {  	_ =	swait.ge [sflag:s15], $0x400  }
0x34: {  	[sflag:s15] =	ssyncset.done $0x0  }
0x35: {  	[sflag:s15] =	ssyncadd.s32 $0xFFFFFC00  }
0x36: {  	_ =	swait.ge [sflag:s16], $0x6400  }
0x37: {  	[sflag:s16] =	ssyncset.done $0x0  }
0x38: {  	[sflag:s16] =	ssyncadd.s32 $0xFFFF9C00  }
0x39: {  	[bflag:$0x0] =	sbarrier.arrive $0xFFFF  }
0x3a: {  	[tilespmem:s18], [sflag:$0x1] =	stream.indirect.gather [spmem:s2], $0x80, s12, s17, $0xb8;
	[tilespmem:$0x1C400] =	vst v63  }
0x3b: {  	s11 =	rddreg [dreg:$0xb]  }
0x3c: {  	s10 =	rddreg [dreg:$0xa]  }
0x3d: {  	s13 =	simm.s32 $0x2080;
	s14 =	simm.s32 $0x2100;
	s9 =	rddreg [dreg:$0x9]  }
0x3e: {  	[tilespmem:s20], [sflag:$0x2] =	stream.indirect.gather [spmem:s2], $0x80, s13, s17, $0xb8;
	[tilespmem:$0x1C400] =	vst v63  }
0x3f: {  	s7 =	simm.s32 $0x0;
	s12 =	smov.u32 s21;
	s8 =	rddreg [dreg:$0x8]  }
0x40: {  	[tilespmem:s22], [sflag:$0x3] =	stream.indirect.gather [spmem:s2], $0x80, s14, s17, $0xb8;
	[tilespmem:$0x1C400] =	vst v63  }
.LBB2_2:
0x41: {  	_ =	swait.ge [sflag:s15], $0x4000  }
0x42: {  	p0 =	seq.s32 s7, $0x0;
	[sflag:s15] =	ssyncset.done $0x0  }
0x43: {  	s5 =	simm.s32 @!p0 $0x9;
	[sflag:s15] =	ssyncadd.s32 $0xFFFFC000  }
0x44: {  	[hbm4b:s8+s3] =	stream.linear.scatter [tilespmem:s18], [sflag:$0x6], $0x4000, $0x38;
	[tilespmem:$0x1C400] =	vst v63  }
0x45: {  	_ =	swait.ge @!p0 [sflag:s5], $0x4000  }
0x46: {  	s6 =	sshra.s32 s7, $0x2;
	[sflag:s5] =	ssyncset.done @!p0 $0x0  }
0x47: {  	s13 =	sadd.s32 $0x2180, s6;
	[sflag:s5] =	ssyncadd.s32 @!p0 $0xFFFFC000  }
0x48: {  	[tilespmem:s23], [sflag:$0x4] =	stream.indirect.gather [spmem:s2], $0x80, s13, s17, $0xb8;
	[tilespmem:$0x1C400] =	vst v63  }
0x49: {  	_ =	swait.ge [sflag:s16], $0x4000  }
0x4a: {  	[sflag:s16] =	ssyncset.done $0x0  }
0x4b: {  	s5 =	simm.s32 @!p0 $0xA;
	[sflag:s16] =	ssyncadd.s32 $0xFFFFC000  }
0x4c: {  	[hbm4b:s12+s3] =	stream.linear.scatter [tilespmem:s20], [sflag:$0x7], $0x4000, $0x38;
	[tilespmem:$0x1C400] =	vst v63  }
0x4d: {  	_ =	swait.ge @!p0 [sflag:s5], $0x4000  }
0x4e: {  	[sflag:s5] =	ssyncset.done @!p0 $0x0  }
0x4f: {  	s14 =	sadd.s32 $0x2200, s6;
	[sflag:s5] =	ssyncadd.s32 @!p0 $0xFFFFC000  }
0x50: {  	[tilespmem:s24], [sflag:$0x5] =	stream.indirect.gather [spmem:s2], $0x80, s14, s17, $0xb8;
	[tilespmem:$0x1C400] =	vst v63  }
0x51: {  	_ =	swait.ge [sflag:s25], $0x4000  }
0x52: {  	p0 =	seq.s32 s7, $0x18600;
	[sflag:s25] =	ssyncset.done $0x0  }
0x53: {  	s5 =	simm.s32 @!p0 $0x6;
	[sflag:s25] =	ssyncadd.s32 $0xFFFFC000  }
0x54: {  	[hbm4b:s11+s3] =	stream.linear.scatter [tilespmem:s22], [sflag:$0x8], $0x4000, $0x38;
	[tilespmem:$0x1C400] =	vst v63  }
0x55: {  	_ =	swait.ge @!p0 [sflag:s5], $0x4000  }
0x56: {  	[sflag:s5] =	ssyncset.done @!p0 $0x0  }
0x57: {  	[sflag:s5] =	ssyncadd.s32 @!p0 $0xFFFFC000;
	s5 =	sshra.s32 @!p0 s7, $0x2  }
0x58: {  	s4 =	simm.s32 @!p0 $0x80;
	s13 =	simm.s32 @!p0 $0x8400;
	s14 =	sadd.s32 @!p0 $0x2280, s5  }
0x59: {  	[tilespmem:s13], [sflag:$0x1] =	stream.indirect.gather @!p0 [spmem:s2], $0x80, s14, s4, $0xb8;
	[tilespmem:$0x1C400] =	vst v63  }
0x5a: {  	_ =	swait.ge [sflag:s26], $0x4000  }
0x5b: {  	[sflag:s26] =	ssyncset.done $0x0  }
0x5c: {  	s13 =	simm.s32 @!p0 $0x7;
	[sflag:s26] =	ssyncadd.s32 $0xFFFFC000  }
0x5d: {  	[hbm4b:s10+s3] =	stream.linear.scatter [tilespmem:s23], [sflag:$0x9], $0x4000, $0x38;
	[tilespmem:$0x1C400] =	vst v63  }
0x5e: {  	_ =	swait.ge @!p0 [sflag:s13], $0x4000  }
0x5f: {  	[sflag:s13] =	ssyncset.done @!p0 $0x0  }
0x60: {  	s5 =	sadd.s32 @!p0 $0x2300, s5;
	[sflag:s13] =	ssyncadd.s32 @!p0 $0xFFFFC000;
	s13 =	simm.s32 @!p0 $0xC400  }
0x61: {  	[tilespmem:s13], [sflag:$0x2] =	stream.indirect.gather @!p0 [spmem:s2], $0x80, s5, s4, $0xb8;
	[tilespmem:$0x1C400] =	vst v63  }
.Ltmp2:
0x62: {  	_ = 	snop;
	(pc) =	sbr.rel @p0 .LBB2_4-.Ltmp2, $4  }
0x63: {  	_ =	swait.ge [sflag:s28], $0x4000  }
0x64: {  	[sflag:s28] =	ssyncset.done $0x0  }
0x65: {  	[sflag:s28] =	ssyncadd.s32 $0xFFFFC000  }
0x66: {  	[hbm4b:s9+s3] =	stream.linear.scatter [tilespmem:s24], [sflag:$0xA], $0x4000, $0x38;
	[tilespmem:$0x1C400] =	vst v63  }
.Ltmp3:
0x67: {  	_ =	swait.ge [sflag:s31], $0x4000;
	(pc) =	sbr.rel .LBB2_2-.Ltmp3, $4  }
0x68: {  	s4 =	sadd.s32 $0x2380, s6;
	s7 =	sadd.s32 $0xA00, s7;
	s8 =	sadd.s32 $0x2800, s8  }
0x69: {  	s9 =	sadd.s32 $0x2800, s9;
	s10 =	sadd.s32 $0x2800, s10;
	[sflag:s31] =	ssyncset.done $0x0  }
0x6a: {  	s11 =	sadd.s32 $0x2800, s11;
	s12 =	sadd.s32 $0x2800, s12;
	[sflag:s31] =	ssyncadd.s32 $0xFFFFC000  }
0x6b: {  	[tilespmem:s22], [sflag:$0x3] =	stream.indirect.gather [spmem:s2], $0x80, s4, s17, $0xb8;
	[tilespmem:$0x1C400] =	vst v63  }
.LBB2_5:
0x6c: {  	_ =	sfence.sel $0x180000  }
0x6d: {  	[bflag:$0x0] =	sbarrier.arrive $0xFFFF  }
0x6e: {  	_ =	strace $0x90000047  }
0x6f: {  	s0 =	stileid.u32;
	[bflag:$0x2] =	sbarrier.arrive $0xFFFF  }
0x70: {  	p0 =	sne.s32 s0, $0x0;
	s0 =	rddreg [dreg:$0x3]  }
0x71: {  	s0 =	sadd.s32 @!p0 $0x100000, s0  }
0x72: {  	[sflag:s0] =	ssyncadd.tile.s32 @!p0 $0x1;
	_ =	shalt  }
.Lfunc_end2:
_tile_overlayer_lowered:
.L_overlay_start_2:
0x73: {  	(tag) =	ssettag $0x2  }
0x74: {  	s0 =	rddreg [dreg:$0x0];
	s2 =	stileid.u32  }
0x75: {  	s1 =	rddreg [dreg:$0x1];
	p0 =	sne.s32 s2, $0x0  }
0x76: {  	s3 =	rddreg [dreg:$0x2];
	[bflag:$0x3] =	sbarrier.arrive $0xFFFF;
	s2 =	simm.s32 @!p0 $0x1C0B  }
0x77: {  	[timem:s3], [sflag:s2] =	dma.local @!p0 [hbm:s0], s1  }
0x78: {  	s0 =	simm.s32 @!p0 $0xB  }
0x79: {  	_ =	swait.ge @!p0 [sflag:s0], s1  }
0x7a: {  	s1 =	ssub.s32 @!p0 $0x0, s1;
	[sflag:s0] =	ssyncset.done @!p0 $0x0  }
0x7b: {  	[sflag:s0] =	ssyncadd.s32 @!p0 s1  }
0x7c: {  	[bflag:$0x3] =	sbarrier.arrive $0xFFFF  }
0x7d: {  	_ =	shalt  }

</sc_bundles>
